<compile_context>
chip_gen: v7x
topology: tpu7x:2x2x1
jax: 0.10.2.dev20260603
libtpu: 0.0.44.dev20260713+nightly
codegen_flags: <defaults>
</compile_context>

<pallas_src>
import functools

import jax
import jax.numpy as jnp
from jax import lax
from jax.experimental import pallas as pl
from jax.experimental.pallas import tpu as pltpu
from jax.experimental.pallas import tpu_sc as plsc

N_NODES = 10000
N_EDGES = 320000
NFEAT = 128
NCLASS = 40

NC = 2
NS = 16
NW = NC * NS

CHUNK = 80
NCHUNK = 125
E_PAD = NW * NCHUNK * CHUNK
N_ACC = N_NODES + 16
ROWS_PER_TILE = 640
ROW_CHUNK = 80


def _spmm_body(h_hbm, src_hbm, dst_hbm, out_hbm,
               srcs_v, dsts_v, rows_v, sem_i, sem_g, sem_s, acc_sh):
    c = lax.axis_index("c")
    s = lax.axis_index("s")
    wid = c * NS + s
    r0 = s * ROWS_PER_TILE
    n_row_chunks = jnp.where(s == NS - 1, 5, 8)

    src_idx = pltpu.async_copy(src_hbm.at[wid], srcs_v, sem_i)

    def init_body(k, carry):
        off = r0 + k * ROW_CHUNK
        pltpu.sync_copy(h_hbm.at[pl.ds(off, ROW_CHUNK)],
                        acc_sh.at[pl.ds(off, ROW_CHUNK)])
        return carry
    lax.fori_loop(0, n_row_chunks, init_body, 0)
    src_idx.wait()
    plsc.subcore_barrier()

    def issue_dst(k):
        pltpu.async_copy(dst_hbm.at[wid, k], dsts_v.at[lax.rem(k, 2)], sem_i)

    def wait_dst(k):
        pltpu.make_async_copy(dst_hbm.at[wid, k],
                              dsts_v.at[lax.rem(k, 2)], sem_i).wait()

    def issue_gather(k):
        pltpu.async_copy(h_hbm.at[srcs_v.at[k]], rows_v.at[lax.rem(k, 2)],
                         sem_g)

    def wait_gather(k):
        pltpu.make_async_copy(h_hbm.at[srcs_v.at[k]],
                              rows_v.at[lax.rem(k, 2)], sem_g).wait()

    def issue_scatter(k):
        pltpu.async_copy(rows_v.at[lax.rem(k, 2)], acc_sh.at[dsts_v.at[lax.rem(k, 2)]],
                         sem_s, add=True)

    def wait_scatter(k):
        pltpu.make_async_copy(rows_v.at[lax.rem(k, 2)],
                              acc_sh.at[dsts_v.at[lax.rem(k, 2)]], sem_s).wait()

    issue_dst(0)
    issue_gather(0)

    def edge_body(k, carry):
        @pl.when(k >= 1)
        def _():
            wait_scatter(k - 1)

        @pl.when(k + 1 < NCHUNK)
        def _():
            issue_dst(k + 1)
            issue_gather(k + 1)

        wait_gather(k)
        wait_dst(k)
        issue_scatter(k)
        return carry
    lax.fori_loop(0, NCHUNK, edge_body, 0)
    wait_scatter(NCHUNK - 1)
    plsc.subcore_barrier()

    def out_body(k, carry):
        off = r0 + k * ROW_CHUNK
        pltpu.sync_copy(acc_sh.at[pl.ds(off, ROW_CHUNK)],
                        out_hbm.at[pl.ds(c * N_NODES + off, ROW_CHUNK)])
        return carry
    lax.fori_loop(0, n_row_chunks, out_body, 0)


@jax.jit
def _spmm(h, src3, dst3):
    mesh = plsc.VectorSubcoreMesh(core_axis_name="c", subcore_axis_name="s")
    return pl.kernel(
        _spmm_body,
        out_type=jax.ShapeDtypeStruct((NC * N_NODES, NFEAT), jnp.float32),
        mesh=mesh,
        scratch_types=[
            pltpu.VMEM((NCHUNK, CHUNK), jnp.int32),
            pltpu.VMEM((2, CHUNK), jnp.int32),
            pltpu.VMEM((2, CHUNK, NFEAT), jnp.float32),
            pltpu.SemaphoreType.DMA,
            pltpu.SemaphoreType.DMA,
            pltpu.SemaphoreType.DMA,
            pltpu.VMEM_SHARED((N_ACC, NFEAT), jnp.float32),
        ],
    )(h, src3, dst3)


BR = 1000


def _mlp01_body(x_r, p0_r, p1_r, w0_r, b0_r, w1_r, b1_r, o_r):
    a = p0_r[...] + p1_r[...] - x_r[...]
    h = jnp.dot(a, w0_r[...], preferred_element_type=jnp.float32) + b0_r[...]
    h = jnp.maximum(h, 0.0)
    h = jnp.dot(h, w1_r[...], preferred_element_type=jnp.float32) + b1_r[...]
    o_r[...] = jnp.maximum(h, 0.0)


@jax.jit
def _mlp01(x, p, W0, b0, W1, b1):
    grid = (N_NODES // BR,)
    return pl.pallas_call(
        _mlp01_body,
        grid=grid,
        in_specs=[
            pl.BlockSpec((BR, NFEAT), lambda i: (i, 0)),
            pl.BlockSpec((BR, NFEAT), lambda i: (i, 0)),
            pl.BlockSpec((BR, NFEAT), lambda i: (i + N_NODES // BR, 0)),
            pl.BlockSpec((NFEAT, NFEAT), lambda i: (0, 0)),
            pl.BlockSpec((1, NFEAT), lambda i: (0, 0)),
            pl.BlockSpec((NFEAT, NFEAT), lambda i: (0, 0)),
            pl.BlockSpec((1, NFEAT), lambda i: (0, 0)),
        ],
        out_specs=pl.BlockSpec((BR, NFEAT), lambda i: (i, 0)),
        out_shape=jax.ShapeDtypeStruct((N_NODES, NFEAT), jnp.float32),
    )(x, p, p, W0, b0.reshape(1, NFEAT), W1, b1.reshape(1, NFEAT))


def _mlp23_body(h_r, q0_r, q1_r, w2_r, b2_r, w3_r, b3_r, o_r):
    a = q0_r[...] + q1_r[...] - h_r[...]
    h = jnp.dot(a, w2_r[...], preferred_element_type=jnp.float32) + b2_r[...]
    h = jnp.maximum(h, 0.0)
    logits = jnp.dot(h, w3_r[...], preferred_element_type=jnp.float32) + b3_r[...]
    m = jnp.max(logits, axis=1, keepdims=True)
    z = logits - m
    o_r[...] = z - jnp.log(jnp.sum(jnp.exp(z), axis=1, keepdims=True))


@jax.jit
def _mlp23(h, q, W2, b2, W3p, b3p):
    grid = (N_NODES // BR,)
    return pl.pallas_call(
        _mlp23_body,
        grid=grid,
        in_specs=[
            pl.BlockSpec((BR, NFEAT), lambda i: (i, 0)),
            pl.BlockSpec((BR, NFEAT), lambda i: (i, 0)),
            pl.BlockSpec((BR, NFEAT), lambda i: (i + N_NODES // BR, 0)),
            pl.BlockSpec((NFEAT, NFEAT), lambda i: (0, 0)),
            pl.BlockSpec((1, NFEAT), lambda i: (0, 0)),
            pl.BlockSpec((NFEAT, NFEAT), lambda i: (0, 0)),
            pl.BlockSpec((1, NFEAT), lambda i: (0, 0)),
        ],
        out_specs=pl.BlockSpec((BR, NFEAT), lambda i: (i, 0)),
        out_shape=jax.ShapeDtypeStruct((N_NODES, NFEAT), jnp.float32),
    )(h, q, q, W2, b2.reshape(1, NFEAT), W3p, b3p)


def kernel(x, edge_index, W0, b0, W1, b1, W2, b2, W3, b3):
    dst = edge_index[0]
    src = edge_index[1]
    npad = E_PAD - N_EDGES
    src3 = jnp.concatenate([src, jnp.zeros((npad,), jnp.int32)]
                           ).reshape(NW, NCHUNK, CHUNK)
    dst3 = jnp.concatenate([dst, jnp.full((npad,), N_NODES, jnp.int32)]
                           ).reshape(NW, NCHUNK, CHUNK)

    p = _spmm(x, src3, dst3)
    h2 = _mlp01(x, p, W0, b0, W1, b1)
    q = _spmm(h2, src3, dst3)

    W3p = jnp.zeros((NFEAT, NFEAT), jnp.float32).at[:, :NCLASS].set(W3)
    b3p = jnp.full((1, NFEAT), -1e30, jnp.float32).at[0, :NCLASS].set(b3)
    out = _mlp23(h2, q, W2, b2, W3p, b3p)
    return out[:, :NCLASS]

# --- scband reference (transcript-rebuilt; emitter-appended) ---
"""Pipeline reference for scband-gin-36687610642606 (READ-ONLY COPY).

The authoritative reference and input builder live on the scoring server;
editing this copy changes nothing except your own understanding.
"""

import jax, jax.numpy as jnp
import numpy as np

N_NODES = 10000
N_EDGES = 320000
NFEAT = 128
NHID = 128
NCLASS = 40


def _uniform(key, shape, stdv):
    return jax.random.uniform(key, shape, minval=-stdv, maxval=stdv, dtype=jnp.float32)


def setup_inputs(seed: int = 0) -> dict:
    key = jax.random.key(seed)
    ks = jax.random.split(key, 12)
    x = jax.random.normal(ks[0], (N_NODES, NFEAT), dtype=jnp.float32)
    edge_index = jax.random.randint(ks[1], (2, N_EDGES), 0, N_NODES, dtype=jnp.int64 if jax.config.jax_enable_x64 else jnp.int32)
    edge_index = edge_index.astype(jnp.int32)
    # 4 MyLinear layers: nfeat->nhid, nhid->nhid, nhid->nhid, nhid->nclass
    s0 = 1.0 / np.sqrt(NFEAT)
    s1 = 1.0 / np.sqrt(NHID)
    W0 = _uniform(ks[2], (NFEAT, NHID), s0); b0 = _uniform(ks[3], (NHID,), s0)
    W1 = _uniform(ks[4], (NHID, NHID), s1); b1 = _uniform(ks[5], (NHID,), s1)
    W2 = _uniform(ks[6], (NHID, NHID), s1); b2 = _uniform(ks[7], (NHID,), s1)
    W3 = _uniform(ks[8], (NHID, NCLASS), s1); b3 = _uniform(ks[9], (NCLASS,), s1)
    return {"x": x, "edge_index": edge_index, "W0": W0, "b0": b0, "W1": W1, "b1": b1, "W2": W2, "b2": b2, "W3": W3, "b3": b3}


def reference(x, edge_index, W0, b0, W1, b1, W2, b2, W3, b3):
    # GIN forward: nlayers=2, mlp_layers=2, dropout=0.0, with_relu=True, with_bn=False
    dst = edge_index[0]
    src = edge_index[1]
    n = x.shape[0]

    def spmm(h):
        # torch.spmm(adj, h) with binary adjacency: scatter-add of gathered src rows into dst
        return jax.ops.segment_sum(h[src], dst, num_segments=n)

    h = x
    # layer 0 (ix=0, ix % mlp_layers == 0 -> aggregate)
    h = h + spmm(h)
    h = h @ W0 + b0
    h = jax.nn.relu(h)
    # layer 1 (ix=1)
    h = h @ W1 + b1
    h = jax.nn.relu(h)
    # layer 2 (ix=2, aggregate)
    h = h + spmm(h)
    h = h @ W2 + b2
    h = jax.nn.relu(h)
    # layer 3 (ix=3, last layer)
    h = h @ W3 + b3
    return jax.nn.log_softmax(h, axis=1)

if __name__ == "__main__":
    import jax
    _d = setup_inputs()
    print(jax.jit(kernel)(*tuple(_d.values())))

</pallas_src>

<mosaic_0001>
#map = affine_map<(d0, d1) -> (0, 0)>
#map1 = affine_map<(d0, d1) -> (0, 0, 0)>
module attributes {stable_mosaic.version = 14 : i64} {
  func.func @_spmm_body(%arg0: i32, %arg1: i32, %arg2: memref<10000x128xf32, #tpu.memory_space<hbm>>, %arg3: memref<32x125x80xi32, #tpu.memory_space<hbm>>, %arg4: memref<32x125x80xi32, #tpu.memory_space<hbm>>, %arg5: memref<20000x128xf32, #tpu.memory_space<hbm>>, %arg6: memref<125x80xi32, #tpu.memory_space<vmem>>, %arg7: memref<2x80xi32, #tpu.memory_space<vmem>>, %arg8: memref<2x80x128xf32, #tpu.memory_space<vmem>>, %arg9: memref<!tpu.dma_semaphore, #tpu.memory_space<semaphore_mem>>, %arg10: memref<!tpu.dma_semaphore, #tpu.memory_space<semaphore_mem>>, %arg11: memref<!tpu.dma_semaphore, #tpu.memory_space<semaphore_mem>>, %arg12: memref<10016x128xf32, #tpu.memory_space<vmem_shared>>) attributes {dimension_semantics = [#tpu.dimension_semantics<core_parallel>, #tpu.dimension_semantics<subcore_parallel>], iteration_bounds = array<i64: 2, 16>, scalar_prefetch = 0 : i64, scratch_operands = 7 : i64, tpu.core_type = #tpu.core_type<sc_vector_subcore>, window_params = [{transform_indices = #map}, {transform_indices = #map1}, {transform_indices = #map1}, {transform_indices = #map}]} {
    %mul3A = arith.constant 16 : i32
    %mul3A_0 = arith.muli %arg0, %mul3A : i32
    %add3A = arith.addi %mul3A_0, %arg1 : i32
    %mul3A_1 = arith.constant 640 : i32
    %mul3A_2 = arith.muli %arg1, %mul3A_1 : i32
    %eq3A = arith.constant 15 : i32
    %eq3A_3 = arith.cmpi eq, %arg1, %eq3A : i32
    %jit3A = arith.constant 5 : i32
    %jit3A_4 = arith.constant 8 : i32
    %select_n3A = arith.select %eq3A_3, %jit3A, %jit3A_4 : i32
    %dma_start3A = arith.constant 0 : i32
    %dma_start3A_5 = arith.constant 0 : i32
    %dma_start3A_6 = tpu.memref_slice %arg3[%add3A, %dma_start3A, %dma_start3A_5] : memref<32x125x80xi32, #tpu.memory_space<hbm>> -> memref<1x125x80xi32, #tpu.memory_space<hbm>>
    %dma_start3A_7 = tpu.memref_squeeze %dma_start3A_6 : memref<1x125x80xi32, #tpu.memory_space<hbm>> -> memref<125x80xi32, #tpu.memory_space<hbm>>
    %dma_start3A_8 = arith.constant 0 : i32
    %dma_start3A_9 = arith.constant 0 : i32
    %dma_start3A_10 = tpu.memref_slice %arg3[%add3A, %dma_start3A_8, %dma_start3A_9] : memref<32x125x80xi32, #tpu.memory_space<hbm>> -> memref<1x125x80xi32, #tpu.memory_space<hbm>>
    %dma_start3A_11 = tpu.memref_squeeze %dma_start3A_10 : memref<1x125x80xi32, #tpu.memory_space<hbm>> -> memref<125x80xi32, #tpu.memory_space<hbm>>
    tpu.enqueue_dma source(%dma_start3A_11 : memref<125x80xi32, #tpu.memory_space<hbm>>) target(%arg6 : memref<125x80xi32, #tpu.memory_space<vmem>>) target_semaphore(%arg9 : memref<!tpu.dma_semaphore, #tpu.memory_space<semaphore_mem>>)
    %while3A = arith.constant 0 : i32
    %while3A_12 = arith.constant 0 : i32
    %while3A_13 = arith.subi %select_n3A, %while3A_12 : i32
    %while3A_14 = arith.addi %while3A_12, %while3A_13 : i32
    %while3A_15 = arith.constant 1 : i32
    %while3A_16 = arith.divsi %while3A_13, %while3A_15 : i32
    %while3A_17 = arith.muli %while3A_16, %while3A_15 : i32
    %while3A_18 = arith.addi %while3A_12, %while3A_17 : i32
    %while3A_19 = arith.constant 1 : i32
    scf.for %while3A_89 = %while3A_12 to %while3A_18 step %while3A_19  : i32 {
      %mul3A_90 = arith.constant 80 : i32
      %mul3A_91 = arith.muli %while3A_89, %mul3A_90 : i32
      %add3A_92 = arith.addi %mul3A_2, %mul3A_91 : i32
      "tpu.region"() ({
        %run_scoped3A = tpu.sem_alloc : memref<!tpu.dma_semaphore, #tpu.memory_space<semaphore_mem>>
        %dma_start3A_93 = arith.constant 0 : i32
        %dma_start3A_94 = tpu.memref_slice %arg12[%add3A_92, %dma_start3A_93] : memref<10016x128xf32, #tpu.memory_space<vmem_shared>> -> memref<80x128xf32, #tpu.memory_space<vmem_shared>>
        %dma_start3A_95 = arith.constant 0 : i32
        %dma_start3A_96 = tpu.memref_slice %arg2[%add3A_92, %dma_start3A_95] : memref<10000x128xf32, #tpu.memory_space<hbm>> -> memref<80x128xf32, #tpu.memory_space<hbm>>
        tpu.enqueue_dma source(%dma_start3A_96 : memref<80x128xf32, #tpu.memory_space<hbm>>) target(%dma_start3A_94 : memref<80x128xf32, #tpu.memory_space<vmem_shared>>) target_semaphore(%run_scoped3A : memref<!tpu.dma_semaphore, #tpu.memory_space<semaphore_mem>>)
        %dma_wait3A_97 = arith.constant 0 : i32
        %dma_wait3A_98 = tpu.memref_slice %arg12[%add3A_92, %dma_wait3A_97] : memref<10016x128xf32, #tpu.memory_space<vmem_shared>> -> memref<80x128xf32, #tpu.memory_space<vmem_shared>>
        %dma_wait3A_99 = arith.constant 0 : i32
        %dma_wait3A_100 = tpu.memref_slice %arg2[%add3A_92, %dma_wait3A_99] : memref<10000x128xf32, #tpu.memory_space<hbm>> -> memref<80x128xf32, #tpu.memory_space<hbm>>
        tpu.wait_dma2 semaphore(%run_scoped3A : memref<!tpu.dma_semaphore, #tpu.memory_space<semaphore_mem>>) src(%dma_wait3A_100 : memref<80x128xf32, #tpu.memory_space<hbm>>) dst(%dma_wait3A_98 : memref<80x128xf32, #tpu.memory_space<vmem_shared>>)
        tpu.yield
      }) : () -> ()
    }
    %while3A_20 = arith.constant 1 : i32
    scf.for %while3A_89 = %while3A_18 to %while3A_14 step %while3A_20  : i32 {
      %mul3A_90 = arith.constant 80 : i32
      %mul3A_91 = arith.muli %while3A_89, %mul3A_90 : i32
      %add3A_92 = arith.addi %mul3A_2, %mul3A_91 : i32
      "tpu.region"() ({
        %run_scoped3A = tpu.sem_alloc : memref<!tpu.dma_semaphore, #tpu.memory_space<semaphore_mem>>
        %dma_start3A_93 = arith.constant 0 : i32
        %dma_start3A_94 = tpu.memref_slice %arg12[%add3A_92, %dma_start3A_93] : memref<10016x128xf32, #tpu.memory_space<vmem_shared>> -> memref<80x128xf32, #tpu.memory_space<vmem_shared>>
        %dma_start3A_95 = arith.constant 0 : i32
        %dma_start3A_96 = tpu.memref_slice %arg2[%add3A_92, %dma_start3A_95] : memref<10000x128xf32, #tpu.memory_space<hbm>> -> memref<80x128xf32, #tpu.memory_space<hbm>>
        tpu.enqueue_dma source(%dma_start3A_96 : memref<80x128xf32, #tpu.memory_space<hbm>>) target(%dma_start3A_94 : memref<80x128xf32, #tpu.memory_space<vmem_shared>>) target_semaphore(%run_scoped3A : memref<!tpu.dma_semaphore, #tpu.memory_space<semaphore_mem>>)
        %dma_wait3A_97 = arith.constant 0 : i32
        %dma_wait3A_98 = tpu.memref_slice %arg12[%add3A_92, %dma_wait3A_97] : memref<10016x128xf32, #tpu.memory_space<vmem_shared>> -> memref<80x128xf32, #tpu.memory_space<vmem_shared>>
        %dma_wait3A_99 = arith.constant 0 : i32
        %dma_wait3A_100 = tpu.memref_slice %arg2[%add3A_92, %dma_wait3A_99] : memref<10000x128xf32, #tpu.memory_space<hbm>> -> memref<80x128xf32, #tpu.memory_space<hbm>>
        tpu.wait_dma2 semaphore(%run_scoped3A : memref<!tpu.dma_semaphore, #tpu.memory_space<semaphore_mem>>) src(%dma_wait3A_100 : memref<80x128xf32, #tpu.memory_space<hbm>>) dst(%dma_wait3A_98 : memref<80x128xf32, #tpu.memory_space<vmem_shared>>)
        tpu.yield
      }) : () -> ()
    }
    %dma_wait3A = arith.constant 0 : i32
    %dma_wait3A_21 = arith.constant 0 : i32
    %dma_wait3A_22 = tpu.memref_slice %arg3[%add3A, %dma_wait3A, %dma_wait3A_21] : memref<32x125x80xi32, #tpu.memory_space<hbm>> -> memref<1x125x80xi32, #tpu.memory_space<hbm>>
    %dma_wait3A_23 = tpu.memref_squeeze %dma_wait3A_22 : memref<1x125x80xi32, #tpu.memory_space<hbm>> -> memref<125x80xi32, #tpu.memory_space<hbm>>
    %dma_wait3A_24 = arith.constant 0 : i32
    %dma_wait3A_25 = arith.constant 0 : i32
    %dma_wait3A_26 = tpu.memref_slice %arg3[%add3A, %dma_wait3A_24, %dma_wait3A_25] : memref<32x125x80xi32, #tpu.memory_space<hbm>> -> memref<1x125x80xi32, #tpu.memory_space<hbm>>
    %dma_wait3A_27 = tpu.memref_squeeze %dma_wait3A_26 : memref<1x125x80xi32, #tpu.memory_space<hbm>> -> memref<125x80xi32, #tpu.memory_space<hbm>>
    tpu.wait_dma2 semaphore(%arg9 : memref<!tpu.dma_semaphore, #tpu.memory_space<semaphore_mem>>) src(%dma_wait3A_27 : memref<125x80xi32, #tpu.memory_space<hbm>>) dst(%arg6 : memref<125x80xi32, #tpu.memory_space<vmem>>)
    %barrier3A = arith.constant 0 : index
    tpu.barrier barrier_id(%barrier3A)
    %rem3A = arith.constant 0 : i32
    %rem3A_28 = arith.constant 2 : i32
    %rem3A_29 = arith.remsi %rem3A, %rem3A_28 : i32
    %dma_start3A_30 = arith.constant 0 : i32
    %dma_start3A_31 = arith.constant 0 : i32
    %dma_start3A_32 = tpu.memref_slice %arg7[%rem3A_29, %dma_start3A_31] : memref<2x80xi32, #tpu.memory_space<vmem>> -> memref<1x80xi32, #tpu.memory_space<vmem>>
    %dma_start3A_33 = tpu.memref_squeeze %dma_start3A_32 : memref<1x80xi32, #tpu.memory_space<vmem>> -> memref<80xi32, #tpu.memory_space<vmem>>
    %dma_start3A_34 = arith.constant 0 : i32
    %dma_start3A_35 = tpu.memref_slice %arg4[%add3A, %dma_start3A_30, %dma_start3A_34] : memref<32x125x80xi32, #tpu.memory_space<hbm>> -> memref<1x1x80xi32, #tpu.memory_space<hbm>>
    %dma_start3A_36 = tpu.memref_squeeze %dma_start3A_35 : memref<1x1x80xi32, #tpu.memory_space<hbm>> -> memref<80xi32, #tpu.memory_space<hbm>>
    %dma_start3A_37 = arith.constant 0 : i32
    %dma_start3A_38 = tpu.memref_slice %arg7[%rem3A_29, %dma_start3A_37] : memref<2x80xi32, #tpu.memory_space<vmem>> -> memref<1x80xi32, #tpu.memory_space<vmem>>
    %dma_start3A_39 = tpu.memref_squeeze %dma_start3A_38 : memref<1x80xi32, #tpu.memory_space<vmem>> -> memref<80xi32, #tpu.memory_space<vmem>>
    %dma_start3A_40 = arith.constant 0 : i32
    %dma_start3A_41 = tpu.memref_slice %arg4[%add3A, %dma_start3A_30, %dma_start3A_40] : memref<32x125x80xi32, #tpu.memory_space<hbm>> -> memref<1x1x80xi32, #tpu.memory_space<hbm>>
    %dma_start3A_42 = tpu.memref_squeeze %dma_start3A_41 : memref<1x1x80xi32, #tpu.memory_space<hbm>> -> memref<80xi32, #tpu.memory_space<hbm>>
    tpu.enqueue_dma source(%dma_start3A_42 : memref<80xi32, #tpu.memory_space<hbm>>) target(%dma_start3A_39 : memref<80xi32, #tpu.memory_space<vmem>>) target_semaphore(%arg9 : memref<!tpu.dma_semaphore, #tpu.memory_space<semaphore_mem>>)
    %rem3A_43 = arith.constant 0 : i32
    %rem3A_44 = arith.constant 2 : i32
    %rem3A_45 = arith.remsi %rem3A_43, %rem3A_44 : i32
    %dma_start3A_46 = arith.constant 0 : i32
    %dma_start3A_47 = arith.constant 0 : i32
    %dma_start3A_48 = arith.constant 0 : i32
    %dma_start3A_49 = tpu.memref_slice %arg8[%rem3A_45, %dma_start3A_47, %dma_start3A_48] : memref<2x80x128xf32, #tpu.memory_space<vmem>> -> memref<1x80x128xf32, #tpu.memory_space<vmem>>
    %dma_start3A_50 = tpu.memref_squeeze %dma_start3A_49 : memref<1x80x128xf32, #tpu.memory_space<vmem>> -> memref<80x128xf32, #tpu.memory_space<vmem>>
    %dma_start3A_51 = arith.constant 0 : i32
    %dma_start3A_52 = tpu.memref_slice %arg6[%dma_start3A_46, %dma_start3A_51] : memref<125x80xi32, #tpu.memory_space<vmem>> -> memref<1x80xi32, #tpu.memory_space<vmem>>
    %dma_start3A_53 = tpu.memref_squeeze %dma_start3A_52 : memref<1x80xi32, #tpu.memory_space<vmem>> -> memref<80xi32, #tpu.memory_space<vmem>>
    %dma_start3A_54 = arith.constant 0 : i32
    %dma_start3A_55 = arith.constant 0 : i32
    %dma_start3A_56 = tpu.memref_slice %arg2[%dma_start3A_54, %dma_start3A_55] : memref<10000x128xf32, #tpu.memory_space<hbm>> -> memref<10000x128xf32, #tpu.memory_space<hbm>>
    tpu.enqueue_indirect_dma source(%dma_start3A_56 : memref<10000x128xf32, #tpu.memory_space<hbm>>) target(%dma_start3A_50 : memref<80x128xf32, #tpu.memory_space<vmem>>) offsets(%dma_start3A_53 : memref<80xi32, #tpu.memory_space<vmem>>) semaphore(%arg10 : memref<!tpu.dma_semaphore, #tpu.memory_space<semaphore_mem>>)
    %scan3A = arith.constant 0 : i32
    %scan3A_57 = arith.constant 0 : i32
    %scan3A_58 = arith.constant 125 : i32
    %scan3A_59 = arith.addi %scan3A_57, %scan3A_58 : i32
    %scan3A_60 = arith.constant 1 : i32
    scf.for %scan3A_89 = %scan3A_57 to %scan3A_59 step %scan3A_60  : i32 {
      %ge3A = arith.constant 1 : i32
      %ge3A_90 = arith.cmpi sge, %scan3A_89, %ge3A : i32
      %convert_element_type3A = arith.extui %ge3A_90 : i1 to i32
      %cond3A = arith.constant 0 : i32
      %cond3A_91 = arith.cmpi ne, %convert_element_type3A, %cond3A : i32
      scf.if %cond3A_91 {
        %sub3A = arith.constant 1 : i32
        %sub3A_138 = arith.subi %scan3A_89, %sub3A : i32
        %rem3A_139 = arith.constant 2 : i32
        %rem3A_140 = arith.remsi %sub3A_138, %rem3A_139 : i32
        %rem3A_141 = arith.constant 2 : i32
        %rem3A_142 = arith.remsi %sub3A_138, %rem3A_141 : i32
        %dma_wait3A_143 = arith.constant 0 : i32
        %dma_wait3A_144 = arith.constant 0 : i32
        %dma_wait3A_145 = tpu.memref_slice %arg8[%rem3A_140, %dma_wait3A_143, %dma_wait3A_144] : memref<2x80x128xf32, #tpu.memory_space<vmem>> -> memref<1x80x128xf32, #tpu.memory_space<vmem>>
        %dma_wait3A_146 = tpu.memref_squeeze %dma_wait3A_145 : memref<1x80x128xf32, #tpu.memory_space<vmem>> -> memref<80x128xf32, #tpu.memory_space<vmem>>
        %dma_wait3A_147 = arith.constant 0 : i32
        %dma_wait3A_148 = tpu.memref_slice %arg7[%rem3A_142, %dma_wait3A_147] : memref<2x80xi32, #tpu.memory_space<vmem>> -> memref<1x80xi32, #tpu.memory_space<vmem>>
        %dma_wait3A_149 = tpu.memref_squeeze %dma_wait3A_148 : memref<1x80xi32, #tpu.memory_space<vmem>> -> memref<80xi32, #tpu.memory_space<vmem>>
        %dma_wait3A_150 = arith.constant 0 : i32
        %dma_wait3A_151 = arith.constant 0 : i32
        %dma_wait3A_152 = tpu.memref_slice %arg12[%dma_wait3A_150, %dma_wait3A_151] : memref<10016x128xf32, #tpu.memory_space<vmem_shared>> -> memref<10016x128xf32, #tpu.memory_space<vmem_shared>>
        tpu.wait_indirect_dma semaphore(%arg11 : memref<!tpu.dma_semaphore, #tpu.memory_space<semaphore_mem>>) src(%dma_wait3A_146 : memref<80x128xf32, #tpu.memory_space<vmem>>) dst(%dma_wait3A_152 : memref<10016x128xf32, #tpu.memory_space<vmem_shared>>)
      } else {
      }
      %add3A_92 = arith.constant 1 : i32
      %add3A_93 = arith.addi %scan3A_89, %add3A_92 : i32
      %lt3A = arith.constant 125 : i32
      %lt3A_94 = arith.cmpi slt, %add3A_93, %lt3A : i32
      %convert_element_type3A_95 = arith.extui %lt3A_94 : i1 to i32
      %cond3A_96 = arith.constant 0 : i32
      %cond3A_97 = arith.cmpi ne, %convert_element_type3A_95, %cond3A_96 : i32
      scf.if %cond3A_97 {
        %add3A_138 = arith.constant 1 : i32
        %add3A_139 = arith.addi %scan3A_89, %add3A_138 : i32
        %rem3A_140 = arith.constant 2 : i32
        %rem3A_141 = arith.remsi %add3A_139, %rem3A_140 : i32
        %dma_start3A_142 = arith.constant 0 : i32
        %dma_start3A_143 = tpu.memref_slice %arg7[%rem3A_141, %dma_start3A_142] : memref<2x80xi32, #tpu.memory_space<vmem>> -> memref<1x80xi32, #tpu.memory_space<vmem>>
        %dma_start3A_144 = tpu.memref_squeeze %dma_start3A_143 : memref<1x80xi32, #tpu.memory_space<vmem>> -> memref<80xi32, #tpu.memory_space<vmem>>
        %dma_start3A_145 = arith.constant 0 : i32
        %dma_start3A_146 = tpu.memref_slice %arg4[%add3A, %add3A_139, %dma_start3A_145] : memref<32x125x80xi32, #tpu.memory_space<hbm>> -> memref<1x1x80xi32, #tpu.memory_space<hbm>>
        %dma_start3A_147 = tpu.memref_squeeze %dma_start3A_146 : memref<1x1x80xi32, #tpu.memory_space<hbm>> -> memref<80xi32, #tpu.memory_space<hbm>>
        %dma_start3A_148 = arith.constant 0 : i32
        %dma_start3A_149 = tpu.memref_slice %arg7[%rem3A_141, %dma_start3A_148] : memref<2x80xi32, #tpu.memory_space<vmem>> -> memref<1x80xi32, #tpu.memory_space<vmem>>
        %dma_start3A_150 = tpu.memref_squeeze %dma_start3A_149 : memref<1x80xi32, #tpu.memory_space<vmem>> -> memref<80xi32, #tpu.memory_space<vmem>>
        %dma_start3A_151 = arith.constant 0 : i32
        %dma_start3A_152 = tpu.memref_slice %arg4[%add3A, %add3A_139, %dma_start3A_151] : memref<32x125x80xi32, #tpu.memory_space<hbm>> -> memref<1x1x80xi32, #tpu.memory_space<hbm>>
        %dma_start3A_153 = tpu.memref_squeeze %dma_start3A_152 : memref<1x1x80xi32, #tpu.memory_space<hbm>> -> memref<80xi32, #tpu.memory_space<hbm>>
        tpu.enqueue_dma source(%dma_start3A_153 : memref<80xi32, #tpu.memory_space<hbm>>) target(%dma_start3A_150 : memref<80xi32, #tpu.memory_space<vmem>>) target_semaphore(%arg9 : memref<!tpu.dma_semaphore, #tpu.memory_space<semaphore_mem>>)
        %add3A_154 = arith.constant 1 : i32
        %add3A_155 = arith.addi %scan3A_89, %add3A_154 : i32
        %rem3A_156 = arith.constant 2 : i32
        %rem3A_157 = arith.remsi %add3A_155, %rem3A_156 : i32
        %dma_start3A_158 = arith.constant 0 : i32
        %dma_start3A_159 = arith.constant 0 : i32
        %dma_start3A_160 = tpu.memref_slice %arg8[%rem3A_157, %dma_start3A_158, %dma_start3A_159] : memref<2x80x128xf32, #tpu.memory_space<vmem>> -> memref<1x80x128xf32, #tpu.memory_space<vmem>>
        %dma_start3A_161 = tpu.memref_squeeze %dma_start3A_160 : memref<1x80x128xf32, #tpu.memory_space<vmem>> -> memref<80x128xf32, #tpu.memory_space<vmem>>
        %dma_start3A_162 = arith.constant 0 : i32
        %dma_start3A_163 = tpu.memref_slice %arg6[%add3A_155, %dma_start3A_162] : memref<125x80xi32, #tpu.memory_space<vmem>> -> memref<1x80xi32, #tpu.memory_space<vmem>>
        %dma_start3A_164 = tpu.memref_squeeze %dma_start3A_163 : memref<1x80xi32, #tpu.memory_space<vmem>> -> memref<80xi32, #tpu.memory_space<vmem>>
        %dma_start3A_165 = arith.constant 0 : i32
        %dma_start3A_166 = arith.constant 0 : i32
        %dma_start3A_167 = tpu.memref_slice %arg2[%dma_start3A_165, %dma_start3A_166] : memref<10000x128xf32, #tpu.memory_space<hbm>> -> memref<10000x128xf32, #tpu.memory_space<hbm>>
        tpu.enqueue_indirect_dma source(%dma_start3A_167 : memref<10000x128xf32, #tpu.memory_space<hbm>>) target(%dma_start3A_161 : memref<80x128xf32, #tpu.memory_space<vmem>>) offsets(%dma_start3A_164 : memref<80xi32, #tpu.memory_space<vmem>>) semaphore(%arg10 : memref<!tpu.dma_semaphore, #tpu.memory_space<semaphore_mem>>)
      } else {
      }
      %rem3A_98 = arith.constant 2 : i32
      %rem3A_99 = arith.remsi %scan3A_89, %rem3A_98 : i32
      %dma_wait3A_100 = arith.constant 0 : i32
      %dma_wait3A_101 = arith.constant 0 : i32
      %dma_wait3A_102 = tpu.memref_slice %arg8[%rem3A_99, %dma_wait3A_100, %dma_wait3A_101] : memref<2x80x128xf32, #tpu.memory_space<vmem>> -> memref<1x80x128xf32, #tpu.memory_space<vmem>>
      %dma_wait3A_103 = tpu.memref_squeeze %dma_wait3A_102 : memref<1x80x128xf32, #tpu.memory_space<vmem>> -> memref<80x128xf32, #tpu.memory_space<vmem>>
      %dma_wait3A_104 = arith.constant 0 : i32
      %dma_wait3A_105 = tpu.memref_slice %arg6[%scan3A_89, %dma_wait3A_104] : memref<125x80xi32, #tpu.memory_space<vmem>> -> memref<1x80xi32, #tpu.memory_space<vmem>>
      %dma_wait3A_106 = tpu.memref_squeeze %dma_wait3A_105 : memref<1x80xi32, #tpu.memory_space<vmem>> -> memref<80xi32, #tpu.memory_space<vmem>>
      %dma_wait3A_107 = arith.constant 0 : i32
      %dma_wait3A_108 = arith.constant 0 : i32
      %dma_wait3A_109 = tpu.memref_slice %arg2[%dma_wait3A_107, %dma_wait3A_108] : memref<10000x128xf32, #tpu.memory_space<hbm>> -> memref<10000x128xf32, #tpu.memory_space<hbm>>
      tpu.wait_indirect_dma semaphore(%arg10 : memref<!tpu.dma_semaphore, #tpu.memory_space<semaphore_mem>>) src(%dma_wait3A_109 : memref<10000x128xf32, #tpu.memory_space<hbm>>) dst(%dma_wait3A_103 : memref<80x128xf32, #tpu.memory_space<vmem>>)
      %rem3A_110 = arith.constant 2 : i32
      %rem3A_111 = arith.remsi %scan3A_89, %rem3A_110 : i32
      %dma_wait3A_112 = arith.constant 0 : i32
      %dma_wait3A_113 = tpu.memref_slice %arg7[%rem3A_111, %dma_wait3A_112] : memref<2x80xi32, #tpu.memory_space<vmem>> -> memref<1x80xi32, #tpu.memory_space<vmem>>
      %dma_wait3A_114 = tpu.memref_squeeze %dma_wait3A_113 : memref<1x80xi32, #tpu.memory_space<vmem>> -> memref<80xi32, #tpu.memory_space<vmem>>
      %dma_wait3A_115 = arith.constant 0 : i32
      %dma_wait3A_116 = tpu.memref_slice %arg4[%add3A, %scan3A_89, %dma_wait3A_115] : memref<32x125x80xi32, #tpu.memory_space<hbm>> -> memref<1x1x80xi32, #tpu.memory_space<hbm>>
      %dma_wait3A_117 = tpu.memref_squeeze %dma_wait3A_116 : memref<1x1x80xi32, #tpu.memory_space<hbm>> -> memref<80xi32, #tpu.memory_space<hbm>>
      %dma_wait3A_118 = arith.constant 0 : i32
      %dma_wait3A_119 = tpu.memref_slice %arg7[%rem3A_111, %dma_wait3A_118] : memref<2x80xi32, #tpu.memory_space<vmem>> -> memref<1x80xi32, #tpu.memory_space<vmem>>
      %dma_wait3A_120 = tpu.memref_squeeze %dma_wait3A_119 : memref<1x80xi32, #tpu.memory_space<vmem>> -> memref<80xi32, #tpu.memory_space<vmem>>
      %dma_wait3A_121 = arith.constant 0 : i32
      %dma_wait3A_122 = tpu.memref_slice %arg4[%add3A, %scan3A_89, %dma_wait3A_121] : memref<32x125x80xi32, #tpu.memory_space<hbm>> -> memref<1x1x80xi32, #tpu.memory_space<hbm>>
      %dma_wait3A_123 = tpu.memref_squeeze %dma_wait3A_122 : memref<1x1x80xi32, #tpu.memory_space<hbm>> -> memref<80xi32, #tpu.memory_space<hbm>>
      tpu.wait_dma2 semaphore(%arg9 : memref<!tpu.dma_semaphore, #tpu.memory_space<semaphore_mem>>) src(%dma_wait3A_123 : memref<80xi32, #tpu.memory_space<hbm>>) dst(%dma_wait3A_120 : memref<80xi32, #tpu.memory_space<vmem>>)
      %rem3A_124 = arith.constant 2 : i32
      %rem3A_125 = arith.remsi %scan3A_89, %rem3A_124 : i32
      %rem3A_126 = arith.constant 2 : i32
      %rem3A_127 = arith.remsi %scan3A_89, %rem3A_126 : i32
      %dma_start3A_128 = arith.constant 0 : i32
      %dma_start3A_129 = arith.constant 0 : i32
      %dma_start3A_130 = tpu.memref_slice %arg8[%rem3A_125, %dma_start3A_128, %dma_start3A_129] : memref<2x80x128xf32, #tpu.memory_space<vmem>> -> memref<1x80x128xf32, #tpu.memory_space<vmem>>
      %dma_start3A_131 = tpu.memref_squeeze %dma_start3A_130 : memref<1x80x128xf32, #tpu.memory_space<vmem>> -> memref<80x128xf32, #tpu.memory_space<vmem>>
      %dma_start3A_132 = arith.constant 0 : i32
      %dma_start3A_133 = tpu.memref_slice %arg7[%rem3A_127, %dma_start3A_132] : memref<2x80xi32, #tpu.memory_space<vmem>> -> memref<1x80xi32, #tpu.memory_space<vmem>>
      %dma_start3A_134 = tpu.memref_squeeze %dma_start3A_133 : memref<1x80xi32, #tpu.memory_space<vmem>> -> memref<80xi32, #tpu.memory_space<vmem>>
      %dma_start3A_135 = arith.constant 0 : i32
      %dma_start3A_136 = arith.constant 0 : i32
      %dma_start3A_137 = tpu.memref_slice %arg12[%dma_start3A_135, %dma_start3A_136] : memref<10016x128xf32, #tpu.memory_space<vmem_shared>> -> memref<10016x128xf32, #tpu.memory_space<vmem_shared>>
      tpu.enqueue_indirect_dma source(%dma_start3A_131 : memref<80x128xf32, #tpu.memory_space<vmem>>) target(%dma_start3A_137 : memref<10016x128xf32, #tpu.memory_space<vmem_shared>>) offsets(%dma_start3A_134 : memref<80xi32, #tpu.memory_space<vmem>>) semaphore(%arg11 : memref<!tpu.dma_semaphore, #tpu.memory_space<semaphore_mem>>) {add = true}
    }
    %scan3A_61 = arith.constant 125 : i32
    %rem3A_62 = arith.constant 124 : i32
    %rem3A_63 = arith.constant 2 : i32
    %rem3A_64 = arith.remsi %rem3A_62, %rem3A_63 : i32
    %rem3A_65 = arith.constant 124 : i32
    %rem3A_66 = arith.constant 2 : i32
    %rem3A_67 = arith.remsi %rem3A_65, %rem3A_66 : i32
    %dma_wait3A_68 = arith.constant 0 : i32
    %dma_wait3A_69 = arith.constant 0 : i32
    %dma_wait3A_70 = tpu.memref_slice %arg8[%rem3A_64, %dma_wait3A_68, %dma_wait3A_69] : memref<2x80x128xf32, #tpu.memory_space<vmem>> -> memref<1x80x128xf32, #tpu.memory_space<vmem>>
    %dma_wait3A_71 = tpu.memref_squeeze %dma_wait3A_70 : memref<1x80x128xf32, #tpu.memory_space<vmem>> -> memref<80x128xf32, #tpu.memory_space<vmem>>
    %dma_wait3A_72 = arith.constant 0 : i32
    %dma_wait3A_73 = tpu.memref_slice %arg7[%rem3A_67, %dma_wait3A_72] : memref<2x80xi32, #tpu.memory_space<vmem>> -> memref<1x80xi32, #tpu.memory_space<vmem>>
    %dma_wait3A_74 = tpu.memref_squeeze %dma_wait3A_73 : memref<1x80xi32, #tpu.memory_space<vmem>> -> memref<80xi32, #tpu.memory_space<vmem>>
    %dma_wait3A_75 = arith.constant 0 : i32
    %dma_wait3A_76 = arith.constant 0 : i32
    %dma_wait3A_77 = tpu.memref_slice %arg12[%dma_wait3A_75, %dma_wait3A_76] : memref<10016x128xf32, #tpu.memory_space<vmem_shared>> -> memref<10016x128xf32, #tpu.memory_space<vmem_shared>>
    tpu.wait_indirect_dma semaphore(%arg11 : memref<!tpu.dma_semaphore, #tpu.memory_space<semaphore_mem>>) src(%dma_wait3A_71 : memref<80x128xf32, #tpu.memory_space<vmem>>) dst(%dma_wait3A_77 : memref<10016x128xf32, #tpu.memory_space<vmem_shared>>)
    %barrier3A_78 = arith.constant 0 : index
    tpu.barrier barrier_id(%barrier3A_78)
    %while3A_79 = arith.constant 0 : i32
    %while3A_80 = arith.constant 0 : i32
    %while3A_81 = arith.subi %select_n3A, %while3A_80 : i32
    %while3A_82 = arith.addi %while3A_80, %while3A_81 : i32
    %while3A_83 = arith.constant 1 : i32
    %while3A_84 = arith.divsi %while3A_81, %while3A_83 : i32
    %while3A_85 = arith.muli %while3A_84, %while3A_83 : i32
    %while3A_86 = arith.addi %while3A_80, %while3A_85 : i32
    %while3A_87 = arith.constant 1 : i32
    scf.for %while3A_89 = %while3A_80 to %while3A_86 step %while3A_87  : i32 {
      %mul3A_90 = arith.constant 80 : i32
      %mul3A_91 = arith.muli %while3A_89, %mul3A_90 : i32
      %add3A_92 = arith.addi %mul3A_2, %mul3A_91 : i32
      %mul3A_93 = arith.constant 10000 : i32
      %mul3A_94 = arith.muli %arg0, %mul3A_93 : i32
      %add3A_95 = arith.addi %mul3A_94, %add3A_92 : i32
      "tpu.region"() ({
        %run_scoped3A = tpu.sem_alloc : memref<!tpu.dma_semaphore, #tpu.memory_space<semaphore_mem>>
        %dma_start3A_96 = arith.constant 0 : i32
        %dma_start3A_97 = tpu.memref_slice %arg5[%add3A_95, %dma_start3A_96] : memref<20000x128xf32, #tpu.memory_space<hbm>> -> memref<80x128xf32, #tpu.memory_space<hbm>>
        %dma_start3A_98 = arith.constant 0 : i32
        %dma_start3A_99 = tpu.memref_slice %arg12[%add3A_92, %dma_start3A_98] : memref<10016x128xf32, #tpu.memory_space<vmem_shared>> -> memref<80x128xf32, #tpu.memory_space<vmem_shared>>
        tpu.enqueue_dma source(%dma_start3A_99 : memref<80x128xf32, #tpu.memory_space<vmem_shared>>) target(%dma_start3A_97 : memref<80x128xf32, #tpu.memory_space<hbm>>) target_semaphore(%run_scoped3A : memref<!tpu.dma_semaphore, #tpu.memory_space<semaphore_mem>>)
        %dma_wait3A_100 = arith.constant 0 : i32
        %dma_wait3A_101 = tpu.memref_slice %arg5[%add3A_95, %dma_wait3A_100] : memref<20000x128xf32, #tpu.memory_space<hbm>> -> memref<80x128xf32, #tpu.memory_space<hbm>>
        %dma_wait3A_102 = arith.constant 0 : i32
        %dma_wait3A_103 = tpu.memref_slice %arg12[%add3A_92, %dma_wait3A_102] : memref<10016x128xf32, #tpu.memory_space<vmem_shared>> -> memref<80x128xf32, #tpu.memory_space<vmem_shared>>
        tpu.wait_dma2 semaphore(%run_scoped3A : memref<!tpu.dma_semaphore, #tpu.memory_space<semaphore_mem>>) src(%dma_wait3A_103 : memref<80x128xf32, #tpu.memory_space<vmem_shared>>) dst(%dma_wait3A_101 : memref<80x128xf32, #tpu.memory_space<hbm>>)
        tpu.yield
      }) : () -> ()
    }
    %while3A_88 = arith.constant 1 : i32
    scf.for %while3A_89 = %while3A_86 to %while3A_82 step %while3A_88  : i32 {
      %mul3A_90 = arith.constant 80 : i32
      %mul3A_91 = arith.muli %while3A_89, %mul3A_90 : i32
      %add3A_92 = arith.addi %mul3A_2, %mul3A_91 : i32
      %mul3A_93 = arith.constant 10000 : i32
      %mul3A_94 = arith.muli %arg0, %mul3A_93 : i32
      %add3A_95 = arith.addi %mul3A_94, %add3A_92 : i32
      "tpu.region"() ({
        %run_scoped3A = tpu.sem_alloc : memref<!tpu.dma_semaphore, #tpu.memory_space<semaphore_mem>>
        %dma_start3A_96 = arith.constant 0 : i32
        %dma_start3A_97 = tpu.memref_slice %arg5[%add3A_95, %dma_start3A_96] : memref<20000x128xf32, #tpu.memory_space<hbm>> -> memref<80x128xf32, #tpu.memory_space<hbm>>
        %dma_start3A_98 = arith.constant 0 : i32
        %dma_start3A_99 = tpu.memref_slice %arg12[%add3A_92, %dma_start3A_98] : memref<10016x128xf32, #tpu.memory_space<vmem_shared>> -> memref<80x128xf32, #tpu.memory_space<vmem_shared>>
        tpu.enqueue_dma source(%dma_start3A_99 : memref<80x128xf32, #tpu.memory_space<vmem_shared>>) target(%dma_start3A_97 : memref<80x128xf32, #tpu.memory_space<hbm>>) target_semaphore(%run_scoped3A : memref<!tpu.dma_semaphore, #tpu.memory_space<semaphore_mem>>)
        %dma_wait3A_100 = arith.constant 0 : i32
        %dma_wait3A_101 = tpu.memref_slice %arg5[%add3A_95, %dma_wait3A_100] : memref<20000x128xf32, #tpu.memory_space<hbm>> -> memref<80x128xf32, #tpu.memory_space<hbm>>
        %dma_wait3A_102 = arith.constant 0 : i32
        %dma_wait3A_103 = tpu.memref_slice %arg12[%add3A_92, %dma_wait3A_102] : memref<10016x128xf32, #tpu.memory_space<vmem_shared>> -> memref<80x128xf32, #tpu.memory_space<vmem_shared>>
        tpu.wait_dma2 semaphore(%run_scoped3A : memref<!tpu.dma_semaphore, #tpu.memory_space<semaphore_mem>>) src(%dma_wait3A_103 : memref<80x128xf32, #tpu.memory_space<vmem_shared>>) dst(%dma_wait3A_101 : memref<80x128xf32, #tpu.memory_space<hbm>>)
        tpu.yield
      }) : () -> ()
    }
    return
  }
}

</mosaic_0001>

<sc_bundles>
// kernel: _spmm.3.cloned.1.call-start
scs
__scs_entry_jumppad:
0x0: {  	(pc) =	sbr.rel $0x88, $3  }
0x1: {  	(tag) =	ssettag $0x0;
	lr =	simm.s32 $0x1  }
0x2: {  	[smem:$0x3F9E] =	sst lr;
	_ =	strace $0xD0000000  }
0x3: {  	_ = 	snop  }
0x4: {  	_ = 	snop  }
0x5: {  	_ = 	snop  }
0x6: {  	_ = 	snop  }
0x7: {  	_ = 	snop  }
__scs_overlays_trampoline_lowered:
0x8: {  	[smem:$0x3FAD] =	sst s0  }
0x9: {  	[smem:$0x3FAE] =	sst s1  }
0xa: {  	[smem:$0x3FAF] =	sst s2  }
0xb: {  	[smem:$0x3FB0] =	sst s3  }
0xc: {  	[smem:$0x3FB1] =	sst s4  }
0xd: {  	[smem:$0x3FB2] =	sst s5  }
0xe: {  	[smem:$0x3FB3] =	sst s6  }
0xf: {  	[smem:$0x3FB4] =	sst s7  }
0x10: {  	[smem:$0x3FB5] =	sst s8  }
0x11: {  	[smem:$0x3FB6] =	sst s9;
	s0 =	simm.s32 @!p0 $0x0  }
0x12: {  	s1 =	sld [smem:$0x3F9C];
	s0 =	simm.s32 @p0 $0x1  }
0x13: {  	[smem:$0x3FB7] =	sst s0;
	s0 =	simm.s32 @!p1 $0x0  }
0x14: {  	s2 =	sld [smem:$0x3F9B];
	s0 =	simm.s32 @p1 $0x1  }
0x15: {  	[smem:$0x3FB8] =	sst s0;
	s0 =	simm.s32 @!p2 $0x0  }
0x16: {  	s3 =	sld [smem:$0x3FDB];
	s0 =	simm.s32 @p2 $0x1  }
0x17: {  	s4 =	simm.s32 $0x1BF5;
	[smem:$0x3FBA] =	sst s0  }
0x18: {  	s0 =	sld [smem:$0x3F9D];
	_ =	swait.ge [sflag:s4], $0x0  }
0x19: {  	s7 =	sld [smem:$0x3F9E]  }
0x1a: {  	s8 =	sadd.s32 $0xFFFFE003, lr  }
0x1b: {  	s9 =	sadd.s32 $0xFFFFFEF7, lr;
	s5 =	simm.s32 $0xFFFFFFFF;
	p2 =	slt.u32 s8, $0xFFFFF086  }
0x1c: {  	p1 =	slt.u32 s9, $0xF7A;
	s5 =	simm.s32 @!p2 $0x0  }
0x1d: {  	s5 =	simm.s32 @p1 $0x1;
	p0 =	seq.s32 s7, s2  }
0x1e: {  	s7 =	smul.u32 @!p0 $0xF7A, s2;
	p2 =	seq.s32 @!p0 s5, $0x0  }
0x1f: {  	s9 =	smul.u32 $0xF7A, s1;
	s8 =	simm.s32 @!p0 $0x1BF5;
	p2 =	por !p2, p0  }
0x20: {  	[sflag:s8] =	ssyncset.s32 @!p0 $0xFFFFF086;
	s6 =	sadd.s32 @!p0 s3, s7;
	s7 =	simm.s32 @!p0 $0x108  }
0x21: {  	s3 =	sadd.s32 s3, s9;
	s6 =	sadd.s32 @!p0 $0x88, s6;
	s7 =	simm.s32 @p2 $0x1082  }
0x22: {  	[simem:s7], [sflag:s8] =	dma.local @!p0 [hbm:s6], $0xF7A  }
0x23: {  	s9 =	sor.u32 $0xD0000000, s2;
	s6 =	simm.s32 $0x108;
	_ =	swait.ge @!p0 [sflag:s8], $0x0  }
0x24: {  	s3 =	sadd.s32 $0x88, s3;
	s6 =	simm.s32 @!p1 $0x1082;
	[sflag:s4] =	ssyncset.s32 $0xFFFFF086  }
0x25: {  	[simem:s6], [sflag:s4] =	dma.local [hbm:s3], $0xF7A  }
0x26: {  	[smem:$0x3F9E] =	sst s1;
	(tag) =	ssettag s2;
	_ =	strace s9  }
0x27: {  	s1 =	sld [smem:$0x3FAE]  }
0x28: {  	s2 =	sld [smem:$0x3FAF]  }
0x29: {  	s4 =	sld [smem:$0x3FB1]  }
0x2a: {  	p0 =	seq.s32 s5, $0x0;
	s5 =	sld [smem:$0x3FB2]  }
0x2b: {  	s6 =	sld [smem:$0x3FB3]  }
0x2c: {  	s7 =	sld [smem:$0x3FB4]  }
0x2d: {  	s3 =	simm.s32 $0x108;
	s8 =	sld [smem:$0x3FB5]  }
0x2e: {  	s3 =	simm.s32 @!p0 $0x1082;
	s9 =	sld [smem:$0x3FB6]  }
0x2f: {  	lr =	sadd.s32 s0, s3;
	s0 =	sld [smem:$0x3FAD]  }
0x30: {  	s3 =	sld [smem:$0x3FB0]  }
0x31: {  	[smem:$0x3FB9] =	sst s10  }
0x32: {  	s10 =	sld [smem:$0x3FB7];
	_ =	sdelay $0x3  }
0x33: {  	p0 =	seq.s32 s10, $0x1;
	s10 =	sld [smem:$0x3FB9];
	_ =	sdelay $0x3  }
0x34: {  	[smem:$0x3FB9] =	sst s10  }
0x35: {  	s10 =	sld [smem:$0x3FB8];
	_ =	sdelay $0x3  }
0x36: {  	p1 =	seq.s32 s10, $0x1;
	s10 =	sld [smem:$0x3FB9];
	_ =	sdelay $0x3  }
0x37: {  	[smem:$0x3FB9] =	sst s10  }
0x38: {  	s10 =	sld [smem:$0x3FBA]  }
0x39: {  	_ = 	snop;
	(pc) =	sbr.ind lr, $3  }
0x3a: {  	_ = 	snop  }
0x3b: {  	_ = 	snop  }
0x3c: {  	p2 =	seq.s32 s10, $0x1;
	s10 =	sld [smem:$0x3FB9]  }
0x3d: {  	_ =	shalt  }
0x3e: {  	_ =	shalt  }
0x3f: {  	_ =	shalt  }
0x40: {  	_ =	shalt  }
0x41: {  	_ =	shalt  }
0x42: {  	_ =	shalt  }
0x43: {  	_ =	shalt  }
0x44: {  	_ =	shalt  }
0x45: {  	_ =	shalt  }
0x46: {  	_ =	shalt  }
0x47: {  	_ =	shalt  }
0x48: {  	_ =	shalt  }
0x49: {  	_ =	shalt  }
0x4a: {  	_ =	shalt  }
0x4b: {  	_ =	shalt  }
0x4c: {  	_ =	shalt  }
0x4d: {  	_ =	shalt  }
0x4e: {  	_ =	shalt  }
0x4f: {  	_ =	shalt  }
0x50: {  	_ =	shalt  }
0x51: {  	_ =	shalt  }
0x52: {  	_ =	shalt  }
0x53: {  	_ =	shalt  }
0x54: {  	_ =	shalt  }
0x55: {  	_ =	shalt  }
0x56: {  	_ =	shalt  }
0x57: {  	_ =	shalt  }
0x58: {  	_ =	shalt  }
0x59: {  	_ =	shalt  }
0x5a: {  	_ =	shalt  }
0x5b: {  	_ =	shalt  }
0x5c: {  	_ =	shalt  }
0x5d: {  	_ =	shalt  }
0x5e: {  	_ =	shalt  }
0x5f: {  	_ =	shalt  }
0x60: {  	_ =	shalt  }
0x61: {  	_ =	shalt  }
0x62: {  	_ =	shalt  }
0x63: {  	_ =	shalt  }
0x64: {  	_ =	shalt  }
0x65: {  	_ =	shalt  }
0x66: {  	_ =	shalt  }
0x67: {  	_ =	shalt  }
0x68: {  	_ =	shalt  }
0x69: {  	_ =	shalt  }
0x6a: {  	_ =	shalt  }
0x6b: {  	_ =	shalt  }
0x6c: {  	_ =	shalt  }
0x6d: {  	_ =	shalt  }
0x6e: {  	_ =	shalt  }
0x6f: {  	_ =	shalt  }
0x70: {  	_ =	shalt  }
0x71: {  	_ =	shalt  }
0x72: {  	_ =	shalt  }
0x73: {  	_ =	shalt  }
0x74: {  	_ =	shalt  }
0x75: {  	_ =	shalt  }
0x76: {  	_ =	shalt  }
0x77: {  	_ =	shalt  }
0x78: {  	_ =	shalt  }
0x79: {  	_ =	shalt  }
0x7a: {  	_ =	shalt  }
0x7b: {  	_ =	shalt  }
0x7c: {  	_ =	shalt  }
0x7d: {  	_ =	shalt  }
0x7e: {  	_ =	shalt  }
0x7f: {  	_ =	shalt  }
0x80: {  	_ =	shalt  }
0x81: {  	_ =	shalt  }
0x82: {  	_ =	shalt  }
0x83: {  	_ =	shalt  }
0x84: {  	_ =	shalt  }
0x85: {  	_ =	shalt  }
0x86: {  	_ =	shalt  }
0x87: {  	_ =	shalt  }
.Lfunc_end0:
.L_simem_size_0:
called_computation_lowered:
.L_overlay_start_0:
0x88: {  	s2 =	sld [smem:$0x3FD9]  }
0x89: {  	s3 =	sld [smem:$0x3FFE];
	_ =	sdelay $0x1  }
0x8a: {  	s1 =	srdreg.scid  }
0x8b: {  	s0 =	sand.u32 $0x1, s1  }
0x8c: {  	s17 =	sshll.u32 s0, $0xA;
	s2 =	sadd.s32 s3, s2  }
0x8d: {  	s2 =	sadd.s32 s2, s17  }
0x8e: {  	[smem:$0x3FC5] =	sst s2  }
0x8f: {  	_ = 	snop  }
0x90: {  	s2 =	sld [smem:$0x3FC9]  }
0x91: {  	s18 =	sld [smem:$0x3FD0];
	(tm) =	ssettm $0x1  }
0x92: {  	s4 =	sld [smem:$0x3FFB];
	_ =	sdelay $0x3  }
0x93: {  	_ =	strace s4  }
0x94: {  	s4 =	sld [smem:$0x3FFC];
	_ =	sdelay $0x3  }
0x95: {  	_ =	strace s4  }
0x96: {  	s4 =	sld [smem:$0x3FFD];
	_ =	sdelay $0x3  }
0x97: {  	_ =	strace s4  }
0x98: {  	_ =	strace $0x8FFFFFFF  }
0x99: {  	s19 =	sld [smem:$0x3FDB];
	_ =	sdelay $0x1  }
0x9a: {  	s5 =	simm.s32 $_scs_section_size  }
0x9b: {  	s6 =	simm.s32 $_size__tile_overlayer_lowered;
	s7 =	simm.s32 $_tile_overlayer_lowered  }
0x9c: {  	s22 =	simm.s32 $0x1BFF;
	s21 =	sshll.u32 s7, $0x1;
	s4 =	sadd.s32 s5, s19  }
0x9d: {  	s8 =	simm.s32 $0x0;
	s20 =	sshll.u32 s6, $0x1;
	s6 =	sadd.s32 s21, s4  }
0x9e: {  	[timem:s8], [sflag:s22] =	dma.local [hbm:s6], s20  }
0x9f: {  	_ =	swait.ge [sflag:s22], s20  }
0xa0: {  	s5 =	ssub.s32 $0x0, s20;
	[sflag:s22] =	ssyncset.done $0x0  }
0xa1: {  	[sflag:s22] =	ssyncadd.s32 s5;
	_ =	sdelay $0x1  }
0xa2: {  	s23 =	simm.s32 $0x1B8B  }
0xa3: {  	_ =	swait.ge [sflag:s23], $0x1  }
0xa4: {  	[sflag:s23] =	ssyncset.done $0x0  }
0xa5: {  	s25 =	simm.s32 $0x1B8E;
	s24 =	sld [smem:$0x3FFE];
	[sflag:s23] =	ssyncadd.s32 $0xFFFFFFFF  }
0xa6: {  	s26 =	simm.s32 $execute0_lowered;
	[smem:$0x3FD2] =	sst s25  }
0xa7: {  	s6 =	sshll.u32 s26, $0x1;
	_ =	strace $0x80000046;
	[dreg:$0x1] =	wrdreg $0xFFFFFFFF  }
0xa8: {  	s28 =	simm.s32 $_size_execute0_lowered;
	s4 =	sadd.s32 s4, s6;
	[dreg:$0x0] =	wrdreg $0x0  }
0xa9: {  	s6 =	sshll.u32 s28, $0x1;
	[dreg:$0x2] =	wrdreg s4  }
0xaa: {  	[dreg:$0x3] =	wrdreg s6  }
0xab: {  	[dreg:$0x4] =	wrdreg $0xC0  }
0xac: {  	_ =	task [dreg:s8], $0x5FFFF  }
0xad: {  	[dreg:$0x1] =	wrdreg $0xFFFFFFFF  }
0xae: {  	[dreg:$0x0] =	wrdreg $0x60  }
0xaf: {  	[dreg:$0x2] =	wrdreg s2  }
0xb0: {  	[dreg:$0x3] =	wrdreg s24  }
0xb1: {  	[dreg:$0x4] =	wrdreg s18  }
0xb2: {  	[dreg:$0x5] =	wrdreg $0x91000  }
0xb3: {  	[dreg:$0x6] =	wrdreg $0x9  }
0xb4: {  	_ =	task.clear_ibuf [dreg:s8], $0x7FFFF;
	_ =	strace $0x90000046  }
0xb5: {  	s29 =	simm.s32 $0x9;
	_ =	strace $0x80000048  }
0xb6: {  	_ =	swait.ge [sflag:s29], $0x1  }
0xb7: {  	[sflag:s29] =	ssyncadd.s32 $0xFFFFFFFF  }
0xb8: {  	_ =	strace $0x90000048  }
0xb9: {  	_ =	sfence  }
0xba: {  	s30 =	sld [smem:$0x0];
	_ =	sdelay $0x2  }
0xbb: {  	s31 =	sshll.u32 s1, $0xD;
	s1 =	sshrl.u32 s1, $0x2  }
0xbc: {  	s3 =	sand.u32 $0x4000, s31;
	s1 =	sadd.s32 s1, s30  }
0xbd: {  	s0 =	sor.u32 s3, s0;
	s1 =	sshll.u32 s1, $0x11  }
0xbe: {  	s0 =	sor.u32 s1, s0  }
0xbf: {  	s0 =	sadd.s32 $0x8F2B, s0  }
0xc0: {  	[sflag:s0] =	ssyncadd.remote.s32 $0x1  }
0xc1: {  	_ =	sfence.sel $0xFFFF  }
0xc2: {  	[dreg:$0x0] =	wrdreg $0xFFFFFFFF;
	(pc) =	sbr.abs _section_cstart, $3  }
0xc3: {  	[dreg:$0x1] =	wrdreg $0xFFFFFFFF  }
0xc4: {  	_ =	task.clear_ibuf [dreg:s8], $0x2FFFF;
	_ =	strace $0x9FFFFFFF  }
0xc5: {  	(tm) =	ssettm $0x7FFFFFFF  }
tec
execute0_lowered:
.L_overlay_start_1:
0x0: {  	(tag) =	ssettag $0x1  }
0x1: {  	s1 =	rddreg [dreg:$0x0]  }
0x2: {  	s6 =	rddreg [dreg:$0x1];
	s2 =	srdreg.scid  }
0x3: {  	s12 =	rddreg [dreg:$0x2];
	s0 =	stileid.u32  }
0x4: {  	s3 =	rddreg [dreg:$0x3];
	s4 =	simm.s32 $0x0;
	s16 =	simm.s32 $0x1  }
0x5: {  	s17 =	simm.s32 $0x4000;
	s18 =	simm.s32 $0x50;
	s19 =	simm.s32 $0x4100  }
0x6: {  	s20 =	simm.s32 $0x2;
	s21 =	simm.s32 $0x3;
	s22 =	simm.s32 $0x0  }
0x7: {  	s8 =	sand.u32 $0x1, s2;
	s7 =	sshll.u32 s0, $0xE;
	s2 =	rddreg [dreg:$0x4]  }
0x8: {  	[smem:$0x7FF] =	sst s4;
	s14 =	smul.u32 $0x2800, s0;
	p0 =	seq.s32 s0, $0xF  }
0x9: {  	s15 =	smul.u32 $0x50000, s0;
	s31 =	sshll.u32 s0, $0x6;
	s5 =	sshll.u32 s8, $0x12  }
0xa: {  	_ =	strace $0x80000047;
	s11 =	ssub.s32 $0x2, s8;
	s30 =	smul.u32 $0x27100, s8  }
0xb: {  	s5 =	sor.u32 s7, s5;
	s13 =	sshrl.u32 s11, $0x1;
	s7 =	simm.s32 $0x5  }
0xc: {  	s15 =	sshrl.u32 s15, $0x2;
	s9 =	sshrl.u32 s5, $0x3;
	s11 =	ssub.s32 s11, s13  }
0xd: {  	s7 =	simm.s32 @!p0 $0x8;
	s13 =	sadd.s32 s30, s12;
	s12 =	sadd.s32 s15, s3  }
0xe: {  	s15 =	simm.s32 $0x4;
	s10 =	sadd.s32 s9, s6;
	s6 =	sadd.s32 $0x10600, s6  }
0xf: {  	s13 =	sadd.s32 s14, s13;
	s8 =	sadd.s32 $0x600, s10;
	s9 =	sadd.s32 s6, s9  }
0x10: {  	s10 =	smax.u32 s11, $0x1;
	s11 =	sadd.s32 s14, s1;
	s14 =	sor.u32 $0x1C04, s31  }
.LBB2_1:
0x11: {  	[tilespmem:s4], [sflag:$0x1] =	stream.linear.gather [hbm4b:s8+s4], $0x3E80, $0x38;
	[tilespmem:$0x1CA00] =	vst v63  }
0x12: {  	p0 =	sne.s32 s7, $0x1  }
.Ltmp0:
0x13: {  	_ = 	snop;
	(pc) =	sbr.rel @!p0 .LBB2_3-.Ltmp0, $4  }
0x14: {  	s23 =	sshrl.u32 s12, $0x3  }
0x15: {  	[spmem:s23], [sflag:s14] =	dma.local [hbm:s11], $0x500  }
0x16: {  	s24 =	sadd.s32 $0xFFFFFFFF, s7;
	_ =	swait.ge [sflag:s15], $0x500  }
0x17: {  	s25 =	sadd.s32 $0x2800, s12;
	s26 =	smov.u32 s11;
	[sflag:s15] =	ssyncset.done $0x0  }
.LBB2_2:
0x18: {  	s28 =	sshrl.u32 s25, $0x3  }
0x19: {  	[sflag:s15] =	ssyncadd.s32 $0xFFFFFB00;
	s26 =	sadd.s32 $0x500, s26;
	p1 =	sne.s32 s24, $0x1  }
0x1a: {  	[spmem:s28], [sflag:s14] =	dma.local [hbm:s26], $0x500  }
.Ltmp1:
0x1b: {  	_ = 	snop;
	(pc) =	sbr.rel @p1 .LBB2_2-.Ltmp1, $4  }
0x1c: {  	_ = 	snop  }
0x1d: {  	s24 =	sadd.s32 $0xFFFFFFFF, s24  }
0x1e: {  	_ =	swait.ge [sflag:s15], $0x500  }
0x1f: {  	s25 =	sadd.s32 $0x2800, s25;
	[sflag:s15] =	ssyncset.done $0x0  }
.LBB2_3:
0x20: {  	[sflag:s15] =	ssyncadd.s32 $0xFFFFFB00  }
0x21: {  	_ =	swait.ge [sflag:s16], $0x3E80  }
0x22: {  	[sflag:s16] =	ssyncset.done $0x0  }
.Ltmp2:
0x23: {  	[sflag:s16] =	ssyncadd.s32 $0xFFFFC180;
	(pc) =	sbr.rel .LBB2_4-.Ltmp2, $4  }
0x24: {  	s24 =	simm.s32 $0x0;
	[bflag:$0x0] =	sbarrier.arrive $0xFFFF  }
0x25: {  	[tilespmem:s17], [sflag:$0x1] =	stream.linear.gather [hbm4b:s9+s24], $0x80, $0x38;
	[tilespmem:$0x1CA00] =	vst v63  }
0x26: {  	_ = 	snop  }
0x27: {  	[tilespmem:s19], [sflag:$0x2] =	stream.indirect.gather [hbm4b:s1+s18], $0x80, s24, s18, $0xb8;
	[tilespmem:$0x1CA00] =	vst v63  }
.LBB2_6:
0x28: {  	_ =	swait.ge [sflag:s20], $0x2800  }
0x29: {  	s24 =	sand.u32 $0x1, s24;
	[sflag:s20] =	ssyncset.done $0x0  }
0x2a: {  	p1 =	slt.u32 s25, $0x7D;
	s26 =	smul.u32 $0xA000, s24;
	[sflag:s20] =	ssyncadd.s32 $0xFFFFD800  }
.Ltmp3:
0x2b: {  	_ =	swait.ge [sflag:s16], $0x80;
	(pc) =	sbr.rel @!p1 .LBB2_7-.Ltmp3, $4  }
0x2c: {  	s24 =	sshll.u32 s24, $0x7;
	s26 =	sshrl.u32 s26, $0x2;
	[sflag:s16] =	ssyncset.done $0x0  }
0x2d: {  	s24 =	sor.u32 $0x4000, s24;
	s26 =	sor.u32 $0x4100, s26;
	[sflag:s16] =	ssyncadd.s32 $0xFFFFFF80  }
0x2e: {  	[spmem:s3] =	stream.indirect.scatter.add.f32 [tilespmem:s26], [sflag:$0x3], $0x80, s24, s18, $0xb8;
	[tilespmem:$0x1CA00] =	vst v63  }
0x2f: {  	s24 =	smov.u32 s25  }
.LBB2_4:
0x30: {  	p1 =	seq.s32 s24, $0x0  }
0x31: {  	p2 =	seq.s32 @!p1 s24, $0x7C  }
0x32: {  	p2 =	por p1, !p2  }
.Ltmp4:
0x33: {  	_ = 	snop;
	(pc) =	sbr.rel @!p2 .LBB2_6-.Ltmp4, $4  }
0x34: {  	s25 =	simm.s32 @!p1 $0x3  }
0x35: {  	_ =	swait.ge @!p1 [sflag:s25], $0x2800  }
0x36: {  	[sflag:s25] =	ssyncset.done @!p1 $0x0  }
0x37: {  	[sflag:s25] =	ssyncadd.s32 @!p1 $0xFFFFD800;
	s25 =	simm.s32 @!p1 $0x7D  }
0x38: {  	s25 =	sadd.s32 @!p1 $0x1, s24  }
0x39: {  	s25 =	simm.s32 @p1 $0x1  }
0x3a: {  	s26 =	sshll.u32 s25, $0x7  }
0x3b: {  	s28 =	sand.u32 $0x7C00, s26  }
0x3c: {  	s31 =	sand.u32 $0x1, s25;
	s29 =	sand.u32 $0x380, s26;
	s28 =	sadd.s32 s5, s28  }
0x3d: {  	s28 =	sor.u32 s29, s28;
	s29 =	smul.u32 $0xA000, s31  }
.Ltmp5:
0x3e: {  	s30 =	sshll.u32 s31, $0x7;
	s28 =	sshrl.u32 s28, $0x3;
	(pc) =	sbr.rel .LBB2_6-.Ltmp5, $4  }
0x3f: {  	s30 =	sor.u32 $0x4000, s30;
	s28 =	sadd.s32 s6, s28;
	s31 =	sshrl.u32 s29, $0x2  }
0x40: {  	[tilespmem:s30], [sflag:$0x1] =	stream.linear.gather [hbm4b:s28+s4], $0x80, $0x38;
	[tilespmem:$0x1CA00] =	vst v63  }
0x41: {  	s26 =	sand.u32 $0x3FFFFF80, s26;
	s28 =	sor.u32 $0x4100, s31  }
0x42: {  	[tilespmem:s28], [sflag:$0x2] =	stream.indirect.gather [hbm4b:s1+s18], $0x80, s26, s18, $0xb8;
	[tilespmem:$0x1CA00] =	vst v63  }
.LBB2_7:
0x43: {  	_ =	swait.ge [sflag:s21], $0x2800  }
0x44: {  	[sflag:s21] =	ssyncset.done $0x0  }
.Ltmp6:
0x45: {  	[sflag:s21] =	ssyncadd.s32 $0xFFFFD800;
	(pc) =	sbr.rel @!p0 .LBB2_9-.Ltmp6, $4  }
0x46: {  	[bflag:$0x0] =	sbarrier.arrive $0xFFFF  }
0x47: {  	[hbm:s13], [sflag:s14] =	dma.local [spmem:s23], $0x500  }
0x48: {  	s24 =	sadd.s32 $0x2800, s12;
	_ =	swait.ge [sflag:s15], $0x500  }
0x49: {  	s25 =	smov.u32 s13;
	s23 =	sadd.s32 $0xFFFFFFFF, s7;
	[sflag:s15] =	ssyncset.done $0x0  }
.LBB2_8:
0x4a: {  	s26 =	sshrl.u32 s24, $0x3  }
0x4b: {  	[sflag:s15] =	ssyncadd.s32 $0xFFFFFB00;
	s25 =	sadd.s32 $0x500, s25;
	p0 =	sne.s32 s23, $0x1  }
0x4c: {  	[hbm:s25], [sflag:s14] =	dma.local [spmem:s26], $0x500  }
.Ltmp7:
0x4d: {  	_ = 	snop;
	(pc) =	sbr.rel @p0 .LBB2_8-.Ltmp7, $4  }
0x4e: {  	_ = 	snop  }
0x4f: {  	s23 =	sadd.s32 $0xFFFFFFFF, s23  }
0x50: {  	_ =	swait.ge [sflag:s15], $0x500  }
0x51: {  	s24 =	sadd.s32 $0x2800, s24;
	[sflag:s15] =	ssyncset.done $0x0  }
.LBB2_9:
0x52: {  	s22 =	sadd.s32 $0x1, s22  }
0x53: {  	p0 =	sne.s32 s22, s10  }
.Ltmp8:
0x54: {  	_ = 	snop;
	(pc) =	sbr.rel @p0 .LBB2_1-.Ltmp8, $2  }
0x55: {  	_ =	sdelay $0x2  }
0x56: {  	[sflag:s15] =	ssyncadd.s32 $0xFFFFFB00  }
0x57: {  	_ =	sfence.sel $0x180000  }
0x58: {  	[bflag:$0x0] =	sbarrier.arrive $0xFFFF  }
0x59: {  	p0 =	sne.s32 s0, $0x0;
	_ =	strace $0x90000047  }
0x5a: {  	s0 =	sadd.s32 @!p0 $0x100000, s2;
	[bflag:$0x2] =	sbarrier.arrive $0xFFFF  }
0x5b: {  	[sflag:s0] =	ssyncadd.tile.s32 @!p0 $0x1;
	_ =	shalt  }
.Lfunc_end2:
_tile_overlayer_lowered:
.L_overlay_start_2:
0x5c: {  	(tag) =	ssettag $0x2  }
0x5d: {  	s0 =	rddreg [dreg:$0x0];
	s2 =	stileid.u32  }
0x5e: {  	s1 =	rddreg [dreg:$0x1];
	p0 =	sne.s32 s2, $0x0  }
0x5f: {  	s3 =	rddreg [dreg:$0x2];
	[bflag:$0x3] =	sbarrier.arrive $0xFFFF;
	s2 =	simm.s32 @!p0 $0x1C04  }
0x60: {  	[timem:s3], [sflag:s2] =	dma.local @!p0 [hbm:s0], s1  }
0x61: {  	s0 =	simm.s32 @!p0 $0x4  }
0x62: {  	_ =	swait.ge @!p0 [sflag:s0], s1  }
0x63: {  	s1 =	ssub.s32 @!p0 $0x0, s1;
	[sflag:s0] =	ssyncset.done @!p0 $0x0  }
0x64: {  	[sflag:s0] =	ssyncadd.s32 @!p0 s1  }
0x65: {  	[bflag:$0x3] =	sbarrier.arrive $0xFFFF  }
0x66: {  	_ =	shalt  }

</sc_bundles>
